<compile_context>
chip_gen: v7x
topology: tpu7x:2x2x1
jax: 0.10.2.dev20260603
libtpu: 0.0.44.dev20260713+nightly
codegen_flags: <defaults>
</compile_context>

<pallas_src>
import functools

import jax
import jax.numpy as jnp
from jax import lax
from jax.experimental import pallas as pl
from jax.experimental.pallas import tpu as pltpu
from jax.experimental.pallas import tpu_sc as plsc

_ROWS = 98304
_LANES = 128
_NW = 32
_ROWS_PER_W = _ROWS // _NW
_CHUNK = 384
_NCHUNK = _ROWS_PER_W // _CHUNK
_NBUF = 2


def _make_sc_copy():
    mesh = plsc.VectorSubcoreMesh(core_axis_name="c", subcore_axis_name="s")

    @functools.partial(
        pl.kernel,
        mesh=mesh,
        out_type=jax.ShapeDtypeStruct((_ROWS, _LANES), jnp.float32),
        scratch_types=(
            [pltpu.MemorySpace.VMEM_SHARED(
                (16, _NBUF, _CHUNK, _LANES), jnp.float32)]
            + [pltpu.SemaphoreType.DMA for _ in range(2 * _NBUF)]
        ),
    )
    def sc_copy(x_hbm, o_hbm, *scratch):
        shared = scratch[0]
        rsems = scratch[1:1 + _NBUF]
        wsems = scratch[1 + _NBUF:]
        sid = lax.axis_index("s")
        core_base = lax.axis_index("c") * (_ROWS // 2)
        sub_base = core_base + sid * _CHUNK

        def rd(g):
            return pltpu.make_async_copy(
                x_hbm.at[pl.ds(sub_base + g * 16 * _CHUNK, _CHUNK)],
                shared.at[sid, g % _NBUF], rsems[g % _NBUF])

        def wr(g):
            return pltpu.make_async_copy(
                shared.at[sid, g % _NBUF],
                o_hbm.at[pl.ds(sub_base + g * 16 * _CHUNK, _CHUNK)],
                wsems[g % _NBUF])

        rd(0).start()
        for g in range(_NCHUNK):
            rd(g).wait()
            wr(g).start()
            nxt = g + 1
            if nxt < _NCHUNK:
                if nxt >= _NBUF:
                    wr(nxt - _NBUF).wait()
                rd(nxt).start()
        for g in range(_NCHUNK - _NBUF, _NCHUNK):
            wr(g).wait()

    return sc_copy


_sc_copy = _make_sc_copy()


def kernel(items):
    n = items.shape[0]
    chunks = n // 128
    flat = (jnp.transpose(items, (1, 3, 0, 2))
            .reshape(2, 3, chunks, 128, 2)
            .transpose(0, 1, 2, 4, 3)
            .reshape(_ROWS, _LANES))
    out = _sc_copy(flat)
    return (out.reshape(2, 3, chunks, 2, 128)
            .transpose(0, 1, 2, 4, 3)
            .reshape(2, 3, n, 2)
            .transpose(2, 0, 3, 1))

# --- scband reference (transcript-rebuilt; emitter-appended) ---
"""Pipeline reference for scband-my-model-87522843560120 (READ-ONLY COPY).

The authoritative reference and input builder live on the scoring server;
editing this copy changes nothing except your own understanding.
"""

import jax, jax.numpy as jnp
import numpy as np

SAMPLE_SIZE = 65536
B = 1048576

def setup_inputs(seed: int = 0) -> dict:
    key = jax.random.key(seed)
    items = jax.random.normal(key, (B, 2, 2, 3), dtype=jnp.float32)
    return {"items": items}

def reference(items):
    # Faithful translation of the TF while_loop:
    #  - pool1 starts empty ([0,2,2,3]); while pool size < sample_size, concat items[i];
    #    since pool starts empty and iteration order is 0..B-1, the final pool is the
    #    first min(sample_size, B) items, scattered into a fixed buffer (state side-effect).
    #  - in BOTH cond branches the TensorArray writes items[i] at slot i, so the stacked
    #    result is exactly the input items, reproduced here as a scatter-overwrite.
    n = items.shape[0]
    k = min(SAMPLE_SIZE, n)
    pool = jnp.zeros((SAMPLE_SIZE, 2, 2, 3), dtype=jnp.float32)
    pool = pool.at[jnp.arange(k)].set(items[:k])  # pool1.assign(final_pool) state update
    # TensorArray per-index writes -> scatter-overwrite into the output buffer
    idx = jnp.arange(n)
    result = jnp.zeros_like(items).at[idx].set(items)
    return result

if __name__ == "__main__":
    import jax
    _d = setup_inputs()
    print(jax.jit(kernel)(*tuple(_d.values())))

</pallas_src>

<mosaic_0001>
#map = affine_map<(d0, d1) -> (0, 0)>
module attributes {stable_mosaic.version = 14 : i64} {
  func.func @sc_copy(%arg0: i32, %arg1: i32, %arg2: memref<98304x128xf32, #tpu.memory_space<hbm>>, %arg3: memref<98304x128xf32, #tpu.memory_space<hbm>>, %arg4: memref<16x2x384x128xf32, #tpu.memory_space<vmem_shared>>, %arg5: memref<!tpu.dma_semaphore, #tpu.memory_space<semaphore_mem>>, %arg6: memref<!tpu.dma_semaphore, #tpu.memory_space<semaphore_mem>>, %arg7: memref<!tpu.dma_semaphore, #tpu.memory_space<semaphore_mem>>, %arg8: memref<!tpu.dma_semaphore, #tpu.memory_space<semaphore_mem>>) attributes {dimension_semantics = [#tpu.dimension_semantics<core_parallel>, #tpu.dimension_semantics<subcore_parallel>], iteration_bounds = array<i64: 2, 16>, scalar_prefetch = 0 : i64, scratch_operands = 5 : i64, tpu.core_type = #tpu.core_type<sc_vector_subcore>, window_params = [{transform_indices = #map}, {transform_indices = #map}]} {
    %mul3A = arith.constant 49152 : i32
    %mul3A_0 = arith.muli %arg0, %mul3A : i32
    %mul3A_1 = arith.constant 384 : i32
    %mul3A_2 = arith.muli %arg1, %mul3A_1 : i32
    %add3A = arith.addi %mul3A_0, %mul3A_2 : i32
    %add3A_3 = arith.constant 0 : i32
    %add3A_4 = arith.addi %add3A, %add3A_3 : i32
    %dma_start3A = arith.constant 0 : i32
    %dma_start3A_5 = arith.constant 0 : i32
    %dma_start3A_6 = arith.constant 0 : i32
    %dma_start3A_7 = tpu.memref_slice %arg4[%arg1, %dma_start3A, %dma_start3A_5, %dma_start3A_6] : memref<16x2x384x128xf32, #tpu.memory_space<vmem_shared>> -> memref<1x1x384x128xf32, #tpu.memory_space<vmem_shared>>
    %dma_start3A_8 = tpu.memref_squeeze %dma_start3A_7 : memref<1x1x384x128xf32, #tpu.memory_space<vmem_shared>> -> memref<384x128xf32, #tpu.memory_space<vmem_shared>>
    %dma_start3A_9 = arith.constant 0 : i32
    %dma_start3A_10 = tpu.memref_slice %arg2[%add3A_4, %dma_start3A_9] : memref<98304x128xf32, #tpu.memory_space<hbm>> -> memref<384x128xf32, #tpu.memory_space<hbm>>
    tpu.enqueue_dma source(%dma_start3A_10 : memref<384x128xf32, #tpu.memory_space<hbm>>) target(%dma_start3A_8 : memref<384x128xf32, #tpu.memory_space<vmem_shared>>) target_semaphore(%arg5 : memref<!tpu.dma_semaphore, #tpu.memory_space<semaphore_mem>>)
    %add3A_11 = arith.constant 0 : i32
    %add3A_12 = arith.addi %add3A, %add3A_11 : i32
    %dma_wait3A = arith.constant 0 : i32
    %dma_wait3A_13 = arith.constant 0 : i32
    %dma_wait3A_14 = arith.constant 0 : i32
    %dma_wait3A_15 = tpu.memref_slice %arg4[%arg1, %dma_wait3A, %dma_wait3A_13, %dma_wait3A_14] : memref<16x2x384x128xf32, #tpu.memory_space<vmem_shared>> -> memref<1x1x384x128xf32, #tpu.memory_space<vmem_shared>>
    %dma_wait3A_16 = tpu.memref_squeeze %dma_wait3A_15 : memref<1x1x384x128xf32, #tpu.memory_space<vmem_shared>> -> memref<384x128xf32, #tpu.memory_space<vmem_shared>>
    %dma_wait3A_17 = arith.constant 0 : i32
    %dma_wait3A_18 = tpu.memref_slice %arg2[%add3A_12, %dma_wait3A_17] : memref<98304x128xf32, #tpu.memory_space<hbm>> -> memref<384x128xf32, #tpu.memory_space<hbm>>
    tpu.wait_dma2 semaphore(%arg5 : memref<!tpu.dma_semaphore, #tpu.memory_space<semaphore_mem>>) src(%dma_wait3A_18 : memref<384x128xf32, #tpu.memory_space<hbm>>) dst(%dma_wait3A_16 : memref<384x128xf32, #tpu.memory_space<vmem_shared>>)
    %add3A_19 = arith.constant 0 : i32
    %add3A_20 = arith.addi %add3A, %add3A_19 : i32
    %dma_start3A_21 = arith.constant 0 : i32
    %dma_start3A_22 = arith.constant 0 : i32
    %dma_start3A_23 = tpu.memref_slice %arg3[%add3A_20, %dma_start3A_22] : memref<98304x128xf32, #tpu.memory_space<hbm>> -> memref<384x128xf32, #tpu.memory_space<hbm>>
    %dma_start3A_24 = arith.constant 0 : i32
    %dma_start3A_25 = arith.constant 0 : i32
    %dma_start3A_26 = tpu.memref_slice %arg4[%arg1, %dma_start3A_21, %dma_start3A_24, %dma_start3A_25] : memref<16x2x384x128xf32, #tpu.memory_space<vmem_shared>> -> memref<1x1x384x128xf32, #tpu.memory_space<vmem_shared>>
    %dma_start3A_27 = tpu.memref_squeeze %dma_start3A_26 : memref<1x1x384x128xf32, #tpu.memory_space<vmem_shared>> -> memref<384x128xf32, #tpu.memory_space<vmem_shared>>
    tpu.enqueue_dma source(%dma_start3A_27 : memref<384x128xf32, #tpu.memory_space<vmem_shared>>) target(%dma_start3A_23 : memref<384x128xf32, #tpu.memory_space<hbm>>) target_semaphore(%arg7 : memref<!tpu.dma_semaphore, #tpu.memory_space<semaphore_mem>>)
    %add3A_28 = arith.constant 6144 : i32
    %add3A_29 = arith.addi %add3A, %add3A_28 : i32
    %dma_start3A_30 = arith.constant 1 : i32
    %dma_start3A_31 = arith.constant 0 : i32
    %dma_start3A_32 = arith.constant 0 : i32
    %dma_start3A_33 = tpu.memref_slice %arg4[%arg1, %dma_start3A_30, %dma_start3A_31, %dma_start3A_32] : memref<16x2x384x128xf32, #tpu.memory_space<vmem_shared>> -> memref<1x1x384x128xf32, #tpu.memory_space<vmem_shared>>
    %dma_start3A_34 = tpu.memref_squeeze %dma_start3A_33 : memref<1x1x384x128xf32, #tpu.memory_space<vmem_shared>> -> memref<384x128xf32, #tpu.memory_space<vmem_shared>>
    %dma_start3A_35 = arith.constant 0 : i32
    %dma_start3A_36 = tpu.memref_slice %arg2[%add3A_29, %dma_start3A_35] : memref<98304x128xf32, #tpu.memory_space<hbm>> -> memref<384x128xf32, #tpu.memory_space<hbm>>
    tpu.enqueue_dma source(%dma_start3A_36 : memref<384x128xf32, #tpu.memory_space<hbm>>) target(%dma_start3A_34 : memref<384x128xf32, #tpu.memory_space<vmem_shared>>) target_semaphore(%arg6 : memref<!tpu.dma_semaphore, #tpu.memory_space<semaphore_mem>>)
    %add3A_37 = arith.constant 6144 : i32
    %add3A_38 = arith.addi %add3A, %add3A_37 : i32
    %dma_wait3A_39 = arith.constant 1 : i32
    %dma_wait3A_40 = arith.constant 0 : i32
    %dma_wait3A_41 = arith.constant 0 : i32
    %dma_wait3A_42 = tpu.memref_slice %arg4[%arg1, %dma_wait3A_39, %dma_wait3A_40, %dma_wait3A_41] : memref<16x2x384x128xf32, #tpu.memory_space<vmem_shared>> -> memref<1x1x384x128xf32, #tpu.memory_space<vmem_shared>>
    %dma_wait3A_43 = tpu.memref_squeeze %dma_wait3A_42 : memref<1x1x384x128xf32, #tpu.memory_space<vmem_shared>> -> memref<384x128xf32, #tpu.memory_space<vmem_shared>>
    %dma_wait3A_44 = arith.constant 0 : i32
    %dma_wait3A_45 = tpu.memref_slice %arg2[%add3A_38, %dma_wait3A_44] : memref<98304x128xf32, #tpu.memory_space<hbm>> -> memref<384x128xf32, #tpu.memory_space<hbm>>
    tpu.wait_dma2 semaphore(%arg6 : memref<!tpu.dma_semaphore, #tpu.memory_space<semaphore_mem>>) src(%dma_wait3A_45 : memref<384x128xf32, #tpu.memory_space<hbm>>) dst(%dma_wait3A_43 : memref<384x128xf32, #tpu.memory_space<vmem_shared>>)
    %add3A_46 = arith.constant 6144 : i32
    %add3A_47 = arith.addi %add3A, %add3A_46 : i32
    %dma_start3A_48 = arith.constant 1 : i32
    %dma_start3A_49 = arith.constant 0 : i32
    %dma_start3A_50 = tpu.memref_slice %arg3[%add3A_47, %dma_start3A_49] : memref<98304x128xf32, #tpu.memory_space<hbm>> -> memref<384x128xf32, #tpu.memory_space<hbm>>
    %dma_start3A_51 = arith.constant 0 : i32
    %dma_start3A_52 = arith.constant 0 : i32
    %dma_start3A_53 = tpu.memref_slice %arg4[%arg1, %dma_start3A_48, %dma_start3A_51, %dma_start3A_52] : memref<16x2x384x128xf32, #tpu.memory_space<vmem_shared>> -> memref<1x1x384x128xf32, #tpu.memory_space<vmem_shared>>
    %dma_start3A_54 = tpu.memref_squeeze %dma_start3A_53 : memref<1x1x384x128xf32, #tpu.memory_space<vmem_shared>> -> memref<384x128xf32, #tpu.memory_space<vmem_shared>>
    tpu.enqueue_dma source(%dma_start3A_54 : memref<384x128xf32, #tpu.memory_space<vmem_shared>>) target(%dma_start3A_50 : memref<384x128xf32, #tpu.memory_space<hbm>>) target_semaphore(%arg8 : memref<!tpu.dma_semaphore, #tpu.memory_space<semaphore_mem>>)
    %add3A_55 = arith.constant 0 : i32
    %add3A_56 = arith.addi %add3A, %add3A_55 : i32
    %dma_wait3A_57 = arith.constant 0 : i32
    %dma_wait3A_58 = arith.constant 0 : i32
    %dma_wait3A_59 = tpu.memref_slice %arg3[%add3A_56, %dma_wait3A_58] : memref<98304x128xf32, #tpu.memory_space<hbm>> -> memref<384x128xf32, #tpu.memory_space<hbm>>
    %dma_wait3A_60 = arith.constant 0 : i32
    %dma_wait3A_61 = arith.constant 0 : i32
    %dma_wait3A_62 = tpu.memref_slice %arg4[%arg1, %dma_wait3A_57, %dma_wait3A_60, %dma_wait3A_61] : memref<16x2x384x128xf32, #tpu.memory_space<vmem_shared>> -> memref<1x1x384x128xf32, #tpu.memory_space<vmem_shared>>
    %dma_wait3A_63 = tpu.memref_squeeze %dma_wait3A_62 : memref<1x1x384x128xf32, #tpu.memory_space<vmem_shared>> -> memref<384x128xf32, #tpu.memory_space<vmem_shared>>
    tpu.wait_dma2 semaphore(%arg7 : memref<!tpu.dma_semaphore, #tpu.memory_space<semaphore_mem>>) src(%dma_wait3A_63 : memref<384x128xf32, #tpu.memory_space<vmem_shared>>) dst(%dma_wait3A_59 : memref<384x128xf32, #tpu.memory_space<hbm>>)
    %add3A_64 = arith.constant 12288 : i32
    %add3A_65 = arith.addi %add3A, %add3A_64 : i32
    %dma_start3A_66 = arith.constant 0 : i32
    %dma_start3A_67 = arith.constant 0 : i32
    %dma_start3A_68 = arith.constant 0 : i32
    %dma_start3A_69 = tpu.memref_slice %arg4[%arg1, %dma_start3A_66, %dma_start3A_67, %dma_start3A_68] : memref<16x2x384x128xf32, #tpu.memory_space<vmem_shared>> -> memref<1x1x384x128xf32, #tpu.memory_space<vmem_shared>>
    %dma_start3A_70 = tpu.memref_squeeze %dma_start3A_69 : memref<1x1x384x128xf32, #tpu.memory_space<vmem_shared>> -> memref<384x128xf32, #tpu.memory_space<vmem_shared>>
    %dma_start3A_71 = arith.constant 0 : i32
    %dma_start3A_72 = tpu.memref_slice %arg2[%add3A_65, %dma_start3A_71] : memref<98304x128xf32, #tpu.memory_space<hbm>> -> memref<384x128xf32, #tpu.memory_space<hbm>>
    tpu.enqueue_dma source(%dma_start3A_72 : memref<384x128xf32, #tpu.memory_space<hbm>>) target(%dma_start3A_70 : memref<384x128xf32, #tpu.memory_space<vmem_shared>>) target_semaphore(%arg5 : memref<!tpu.dma_semaphore, #tpu.memory_space<semaphore_mem>>)
    %add3A_73 = arith.constant 12288 : i32
    %add3A_74 = arith.addi %add3A, %add3A_73 : i32
    %dma_wait3A_75 = arith.constant 0 : i32
    %dma_wait3A_76 = arith.constant 0 : i32
    %dma_wait3A_77 = arith.constant 0 : i32
    %dma_wait3A_78 = tpu.memref_slice %arg4[%arg1, %dma_wait3A_75, %dma_wait3A_76, %dma_wait3A_77] : memref<16x2x384x128xf32, #tpu.memory_space<vmem_shared>> -> memref<1x1x384x128xf32, #tpu.memory_space<vmem_shared>>
    %dma_wait3A_79 = tpu.memref_squeeze %dma_wait3A_78 : memref<1x1x384x128xf32, #tpu.memory_space<vmem_shared>> -> memref<384x128xf32, #tpu.memory_space<vmem_shared>>
    %dma_wait3A_80 = arith.constant 0 : i32
    %dma_wait3A_81 = tpu.memref_slice %arg2[%add3A_74, %dma_wait3A_80] : memref<98304x128xf32, #tpu.memory_space<hbm>> -> memref<384x128xf32, #tpu.memory_space<hbm>>
    tpu.wait_dma2 semaphore(%arg5 : memref<!tpu.dma_semaphore, #tpu.memory_space<semaphore_mem>>) src(%dma_wait3A_81 : memref<384x128xf32, #tpu.memory_space<hbm>>) dst(%dma_wait3A_79 : memref<384x128xf32, #tpu.memory_space<vmem_shared>>)
    %add3A_82 = arith.constant 12288 : i32
    %add3A_83 = arith.addi %add3A, %add3A_82 : i32
    %dma_start3A_84 = arith.constant 0 : i32
    %dma_start3A_85 = arith.constant 0 : i32
    %dma_start3A_86 = tpu.memref_slice %arg3[%add3A_83, %dma_start3A_85] : memref<98304x128xf32, #tpu.memory_space<hbm>> -> memref<384x128xf32, #tpu.memory_space<hbm>>
    %dma_start3A_87 = arith.constant 0 : i32
    %dma_start3A_88 = arith.constant 0 : i32
    %dma_start3A_89 = tpu.memref_slice %arg4[%arg1, %dma_start3A_84, %dma_start3A_87, %dma_start3A_88] : memref<16x2x384x128xf32, #tpu.memory_space<vmem_shared>> -> memref<1x1x384x128xf32, #tpu.memory_space<vmem_shared>>
    %dma_start3A_90 = tpu.memref_squeeze %dma_start3A_89 : memref<1x1x384x128xf32, #tpu.memory_space<vmem_shared>> -> memref<384x128xf32, #tpu.memory_space<vmem_shared>>
    tpu.enqueue_dma source(%dma_start3A_90 : memref<384x128xf32, #tpu.memory_space<vmem_shared>>) target(%dma_start3A_86 : memref<384x128xf32, #tpu.memory_space<hbm>>) target_semaphore(%arg7 : memref<!tpu.dma_semaphore, #tpu.memory_space<semaphore_mem>>)
    %add3A_91 = arith.constant 6144 : i32
    %add3A_92 = arith.addi %add3A, %add3A_91 : i32
    %dma_wait3A_93 = arith.constant 1 : i32
    %dma_wait3A_94 = arith.constant 0 : i32
    %dma_wait3A_95 = tpu.memref_slice %arg3[%add3A_92, %dma_wait3A_94] : memref<98304x128xf32, #tpu.memory_space<hbm>> -> memref<384x128xf32, #tpu.memory_space<hbm>>
    %dma_wait3A_96 = arith.constant 0 : i32
    %dma_wait3A_97 = arith.constant 0 : i32
    %dma_wait3A_98 = tpu.memref_slice %arg4[%arg1, %dma_wait3A_93, %dma_wait3A_96, %dma_wait3A_97] : memref<16x2x384x128xf32, #tpu.memory_space<vmem_shared>> -> memref<1x1x384x128xf32, #tpu.memory_space<vmem_shared>>
    %dma_wait3A_99 = tpu.memref_squeeze %dma_wait3A_98 : memref<1x1x384x128xf32, #tpu.memory_space<vmem_shared>> -> memref<384x128xf32, #tpu.memory_space<vmem_shared>>
    tpu.wait_dma2 semaphore(%arg8 : memref<!tpu.dma_semaphore, #tpu.memory_space<semaphore_mem>>) src(%dma_wait3A_99 : memref<384x128xf32, #tpu.memory_space<vmem_shared>>) dst(%dma_wait3A_95 : memref<384x128xf32, #tpu.memory_space<hbm>>)
    %add3A_100 = arith.constant 18432 : i32
    %add3A_101 = arith.addi %add3A, %add3A_100 : i32
    %dma_start3A_102 = arith.constant 1 : i32
    %dma_start3A_103 = arith.constant 0 : i32
    %dma_start3A_104 = arith.constant 0 : i32
    %dma_start3A_105 = tpu.memref_slice %arg4[%arg1, %dma_start3A_102, %dma_start3A_103, %dma_start3A_104] : memref<16x2x384x128xf32, #tpu.memory_space<vmem_shared>> -> memref<1x1x384x128xf32, #tpu.memory_space<vmem_shared>>
    %dma_start3A_106 = tpu.memref_squeeze %dma_start3A_105 : memref<1x1x384x128xf32, #tpu.memory_space<vmem_shared>> -> memref<384x128xf32, #tpu.memory_space<vmem_shared>>
    %dma_start3A_107 = arith.constant 0 : i32
    %dma_start3A_108 = tpu.memref_slice %arg2[%add3A_101, %dma_start3A_107] : memref<98304x128xf32, #tpu.memory_space<hbm>> -> memref<384x128xf32, #tpu.memory_space<hbm>>
    tpu.enqueue_dma source(%dma_start3A_108 : memref<384x128xf32, #tpu.memory_space<hbm>>) target(%dma_start3A_106 : memref<384x128xf32, #tpu.memory_space<vmem_shared>>) target_semaphore(%arg6 : memref<!tpu.dma_semaphore, #tpu.memory_space<semaphore_mem>>)
    %add3A_109 = arith.constant 18432 : i32
    %add3A_110 = arith.addi %add3A, %add3A_109 : i32
    %dma_wait3A_111 = arith.constant 1 : i32
    %dma_wait3A_112 = arith.constant 0 : i32
    %dma_wait3A_113 = arith.constant 0 : i32
    %dma_wait3A_114 = tpu.memref_slice %arg4[%arg1, %dma_wait3A_111, %dma_wait3A_112, %dma_wait3A_113] : memref<16x2x384x128xf32, #tpu.memory_space<vmem_shared>> -> memref<1x1x384x128xf32, #tpu.memory_space<vmem_shared>>
    %dma_wait3A_115 = tpu.memref_squeeze %dma_wait3A_114 : memref<1x1x384x128xf32, #tpu.memory_space<vmem_shared>> -> memref<384x128xf32, #tpu.memory_space<vmem_shared>>
    %dma_wait3A_116 = arith.constant 0 : i32
    %dma_wait3A_117 = tpu.memref_slice %arg2[%add3A_110, %dma_wait3A_116] : memref<98304x128xf32, #tpu.memory_space<hbm>> -> memref<384x128xf32, #tpu.memory_space<hbm>>
    tpu.wait_dma2 semaphore(%arg6 : memref<!tpu.dma_semaphore, #tpu.memory_space<semaphore_mem>>) src(%dma_wait3A_117 : memref<384x128xf32, #tpu.memory_space<hbm>>) dst(%dma_wait3A_115 : memref<384x128xf32, #tpu.memory_space<vmem_shared>>)
    %add3A_118 = arith.constant 18432 : i32
    %add3A_119 = arith.addi %add3A, %add3A_118 : i32
    %dma_start3A_120 = arith.constant 1 : i32
    %dma_start3A_121 = arith.constant 0 : i32
    %dma_start3A_122 = tpu.memref_slice %arg3[%add3A_119, %dma_start3A_121] : memref<98304x128xf32, #tpu.memory_space<hbm>> -> memref<384x128xf32, #tpu.memory_space<hbm>>
    %dma_start3A_123 = arith.constant 0 : i32
    %dma_start3A_124 = arith.constant 0 : i32
    %dma_start3A_125 = tpu.memref_slice %arg4[%arg1, %dma_start3A_120, %dma_start3A_123, %dma_start3A_124] : memref<16x2x384x128xf32, #tpu.memory_space<vmem_shared>> -> memref<1x1x384x128xf32, #tpu.memory_space<vmem_shared>>
    %dma_start3A_126 = tpu.memref_squeeze %dma_start3A_125 : memref<1x1x384x128xf32, #tpu.memory_space<vmem_shared>> -> memref<384x128xf32, #tpu.memory_space<vmem_shared>>
    tpu.enqueue_dma source(%dma_start3A_126 : memref<384x128xf32, #tpu.memory_space<vmem_shared>>) target(%dma_start3A_122 : memref<384x128xf32, #tpu.memory_space<hbm>>) target_semaphore(%arg8 : memref<!tpu.dma_semaphore, #tpu.memory_space<semaphore_mem>>)
    %add3A_127 = arith.constant 12288 : i32
    %add3A_128 = arith.addi %add3A, %add3A_127 : i32
    %dma_wait3A_129 = arith.constant 0 : i32
    %dma_wait3A_130 = arith.constant 0 : i32
    %dma_wait3A_131 = tpu.memref_slice %arg3[%add3A_128, %dma_wait3A_130] : memref<98304x128xf32, #tpu.memory_space<hbm>> -> memref<384x128xf32, #tpu.memory_space<hbm>>
    %dma_wait3A_132 = arith.constant 0 : i32
    %dma_wait3A_133 = arith.constant 0 : i32
    %dma_wait3A_134 = tpu.memref_slice %arg4[%arg1, %dma_wait3A_129, %dma_wait3A_132, %dma_wait3A_133] : memref<16x2x384x128xf32, #tpu.memory_space<vmem_shared>> -> memref<1x1x384x128xf32, #tpu.memory_space<vmem_shared>>
    %dma_wait3A_135 = tpu.memref_squeeze %dma_wait3A_134 : memref<1x1x384x128xf32, #tpu.memory_space<vmem_shared>> -> memref<384x128xf32, #tpu.memory_space<vmem_shared>>
    tpu.wait_dma2 semaphore(%arg7 : memref<!tpu.dma_semaphore, #tpu.memory_space<semaphore_mem>>) src(%dma_wait3A_135 : memref<384x128xf32, #tpu.memory_space<vmem_shared>>) dst(%dma_wait3A_131 : memref<384x128xf32, #tpu.memory_space<hbm>>)
    %add3A_136 = arith.constant 24576 : i32
    %add3A_137 = arith.addi %add3A, %add3A_136 : i32
    %dma_start3A_138 = arith.constant 0 : i32
    %dma_start3A_139 = arith.constant 0 : i32
    %dma_start3A_140 = arith.constant 0 : i32
    %dma_start3A_141 = tpu.memref_slice %arg4[%arg1, %dma_start3A_138, %dma_start3A_139, %dma_start3A_140] : memref<16x2x384x128xf32, #tpu.memory_space<vmem_shared>> -> memref<1x1x384x128xf32, #tpu.memory_space<vmem_shared>>
    %dma_start3A_142 = tpu.memref_squeeze %dma_start3A_141 : memref<1x1x384x128xf32, #tpu.memory_space<vmem_shared>> -> memref<384x128xf32, #tpu.memory_space<vmem_shared>>
    %dma_start3A_143 = arith.constant 0 : i32
    %dma_start3A_144 = tpu.memref_slice %arg2[%add3A_137, %dma_start3A_143] : memref<98304x128xf32, #tpu.memory_space<hbm>> -> memref<384x128xf32, #tpu.memory_space<hbm>>
    tpu.enqueue_dma source(%dma_start3A_144 : memref<384x128xf32, #tpu.memory_space<hbm>>) target(%dma_start3A_142 : memref<384x128xf32, #tpu.memory_space<vmem_shared>>) target_semaphore(%arg5 : memref<!tpu.dma_semaphore, #tpu.memory_space<semaphore_mem>>)
    %add3A_145 = arith.constant 24576 : i32
    %add3A_146 = arith.addi %add3A, %add3A_145 : i32
    %dma_wait3A_147 = arith.constant 0 : i32
    %dma_wait3A_148 = arith.constant 0 : i32
    %dma_wait3A_149 = arith.constant 0 : i32
    %dma_wait3A_150 = tpu.memref_slice %arg4[%arg1, %dma_wait3A_147, %dma_wait3A_148, %dma_wait3A_149] : memref<16x2x384x128xf32, #tpu.memory_space<vmem_shared>> -> memref<1x1x384x128xf32, #tpu.memory_space<vmem_shared>>
    %dma_wait3A_151 = tpu.memref_squeeze %dma_wait3A_150 : memref<1x1x384x128xf32, #tpu.memory_space<vmem_shared>> -> memref<384x128xf32, #tpu.memory_space<vmem_shared>>
    %dma_wait3A_152 = arith.constant 0 : i32
    %dma_wait3A_153 = tpu.memref_slice %arg2[%add3A_146, %dma_wait3A_152] : memref<98304x128xf32, #tpu.memory_space<hbm>> -> memref<384x128xf32, #tpu.memory_space<hbm>>
    tpu.wait_dma2 semaphore(%arg5 : memref<!tpu.dma_semaphore, #tpu.memory_space<semaphore_mem>>) src(%dma_wait3A_153 : memref<384x128xf32, #tpu.memory_space<hbm>>) dst(%dma_wait3A_151 : memref<384x128xf32, #tpu.memory_space<vmem_shared>>)
    %add3A_154 = arith.constant 24576 : i32
    %add3A_155 = arith.addi %add3A, %add3A_154 : i32
    %dma_start3A_156 = arith.constant 0 : i32
    %dma_start3A_157 = arith.constant 0 : i32
    %dma_start3A_158 = tpu.memref_slice %arg3[%add3A_155, %dma_start3A_157] : memref<98304x128xf32, #tpu.memory_space<hbm>> -> memref<384x128xf32, #tpu.memory_space<hbm>>
    %dma_start3A_159 = arith.constant 0 : i32
    %dma_start3A_160 = arith.constant 0 : i32
    %dma_start3A_161 = tpu.memref_slice %arg4[%arg1, %dma_start3A_156, %dma_start3A_159, %dma_start3A_160] : memref<16x2x384x128xf32, #tpu.memory_space<vmem_shared>> -> memref<1x1x384x128xf32, #tpu.memory_space<vmem_shared>>
    %dma_start3A_162 = tpu.memref_squeeze %dma_start3A_161 : memref<1x1x384x128xf32, #tpu.memory_space<vmem_shared>> -> memref<384x128xf32, #tpu.memory_space<vmem_shared>>
    tpu.enqueue_dma source(%dma_start3A_162 : memref<384x128xf32, #tpu.memory_space<vmem_shared>>) target(%dma_start3A_158 : memref<384x128xf32, #tpu.memory_space<hbm>>) target_semaphore(%arg7 : memref<!tpu.dma_semaphore, #tpu.memory_space<semaphore_mem>>)
    %add3A_163 = arith.constant 18432 : i32
    %add3A_164 = arith.addi %add3A, %add3A_163 : i32
    %dma_wait3A_165 = arith.constant 1 : i32
    %dma_wait3A_166 = arith.constant 0 : i32
    %dma_wait3A_167 = tpu.memref_slice %arg3[%add3A_164, %dma_wait3A_166] : memref<98304x128xf32, #tpu.memory_space<hbm>> -> memref<384x128xf32, #tpu.memory_space<hbm>>
    %dma_wait3A_168 = arith.constant 0 : i32
    %dma_wait3A_169 = arith.constant 0 : i32
    %dma_wait3A_170 = tpu.memref_slice %arg4[%arg1, %dma_wait3A_165, %dma_wait3A_168, %dma_wait3A_169] : memref<16x2x384x128xf32, #tpu.memory_space<vmem_shared>> -> memref<1x1x384x128xf32, #tpu.memory_space<vmem_shared>>
    %dma_wait3A_171 = tpu.memref_squeeze %dma_wait3A_170 : memref<1x1x384x128xf32, #tpu.memory_space<vmem_shared>> -> memref<384x128xf32, #tpu.memory_space<vmem_shared>>
    tpu.wait_dma2 semaphore(%arg8 : memref<!tpu.dma_semaphore, #tpu.memory_space<semaphore_mem>>) src(%dma_wait3A_171 : memref<384x128xf32, #tpu.memory_space<vmem_shared>>) dst(%dma_wait3A_167 : memref<384x128xf32, #tpu.memory_space<hbm>>)
    %add3A_172 = arith.constant 30720 : i32
    %add3A_173 = arith.addi %add3A, %add3A_172 : i32
    %dma_start3A_174 = arith.constant 1 : i32
    %dma_start3A_175 = arith.constant 0 : i32
    %dma_start3A_176 = arith.constant 0 : i32
    %dma_start3A_177 = tpu.memref_slice %arg4[%arg1, %dma_start3A_174, %dma_start3A_175, %dma_start3A_176] : memref<16x2x384x128xf32, #tpu.memory_space<vmem_shared>> -> memref<1x1x384x128xf32, #tpu.memory_space<vmem_shared>>
    %dma_start3A_178 = tpu.memref_squeeze %dma_start3A_177 : memref<1x1x384x128xf32, #tpu.memory_space<vmem_shared>> -> memref<384x128xf32, #tpu.memory_space<vmem_shared>>
    %dma_start3A_179 = arith.constant 0 : i32
    %dma_start3A_180 = tpu.memref_slice %arg2[%add3A_173, %dma_start3A_179] : memref<98304x128xf32, #tpu.memory_space<hbm>> -> memref<384x128xf32, #tpu.memory_space<hbm>>
    tpu.enqueue_dma source(%dma_start3A_180 : memref<384x128xf32, #tpu.memory_space<hbm>>) target(%dma_start3A_178 : memref<384x128xf32, #tpu.memory_space<vmem_shared>>) target_semaphore(%arg6 : memref<!tpu.dma_semaphore, #tpu.memory_space<semaphore_mem>>)
    %add3A_181 = arith.constant 30720 : i32
    %add3A_182 = arith.addi %add3A, %add3A_181 : i32
    %dma_wait3A_183 = arith.constant 1 : i32
    %dma_wait3A_184 = arith.constant 0 : i32
    %dma_wait3A_185 = arith.constant 0 : i32
    %dma_wait3A_186 = tpu.memref_slice %arg4[%arg1, %dma_wait3A_183, %dma_wait3A_184, %dma_wait3A_185] : memref<16x2x384x128xf32, #tpu.memory_space<vmem_shared>> -> memref<1x1x384x128xf32, #tpu.memory_space<vmem_shared>>
    %dma_wait3A_187 = tpu.memref_squeeze %dma_wait3A_186 : memref<1x1x384x128xf32, #tpu.memory_space<vmem_shared>> -> memref<384x128xf32, #tpu.memory_space<vmem_shared>>
    %dma_wait3A_188 = arith.constant 0 : i32
    %dma_wait3A_189 = tpu.memref_slice %arg2[%add3A_182, %dma_wait3A_188] : memref<98304x128xf32, #tpu.memory_space<hbm>> -> memref<384x128xf32, #tpu.memory_space<hbm>>
    tpu.wait_dma2 semaphore(%arg6 : memref<!tpu.dma_semaphore, #tpu.memory_space<semaphore_mem>>) src(%dma_wait3A_189 : memref<384x128xf32, #tpu.memory_space<hbm>>) dst(%dma_wait3A_187 : memref<384x128xf32, #tpu.memory_space<vmem_shared>>)
    %add3A_190 = arith.constant 30720 : i32
    %add3A_191 = arith.addi %add3A, %add3A_190 : i32
    %dma_start3A_192 = arith.constant 1 : i32
    %dma_start3A_193 = arith.constant 0 : i32
    %dma_start3A_194 = tpu.memref_slice %arg3[%add3A_191, %dma_start3A_193] : memref<98304x128xf32, #tpu.memory_space<hbm>> -> memref<384x128xf32, #tpu.memory_space<hbm>>
    %dma_start3A_195 = arith.constant 0 : i32
    %dma_start3A_196 = arith.constant 0 : i32
    %dma_start3A_197 = tpu.memref_slice %arg4[%arg1, %dma_start3A_192, %dma_start3A_195, %dma_start3A_196] : memref<16x2x384x128xf32, #tpu.memory_space<vmem_shared>> -> memref<1x1x384x128xf32, #tpu.memory_space<vmem_shared>>
    %dma_start3A_198 = tpu.memref_squeeze %dma_start3A_197 : memref<1x1x384x128xf32, #tpu.memory_space<vmem_shared>> -> memref<384x128xf32, #tpu.memory_space<vmem_shared>>
    tpu.enqueue_dma source(%dma_start3A_198 : memref<384x128xf32, #tpu.memory_space<vmem_shared>>) target(%dma_start3A_194 : memref<384x128xf32, #tpu.memory_space<hbm>>) target_semaphore(%arg8 : memref<!tpu.dma_semaphore, #tpu.memory_space<semaphore_mem>>)
    %add3A_199 = arith.constant 24576 : i32
    %add3A_200 = arith.addi %add3A, %add3A_199 : i32
    %dma_wait3A_201 = arith.constant 0 : i32
    %dma_wait3A_202 = arith.constant 0 : i32
    %dma_wait3A_203 = tpu.memref_slice %arg3[%add3A_200, %dma_wait3A_202] : memref<98304x128xf32, #tpu.memory_space<hbm>> -> memref<384x128xf32, #tpu.memory_space<hbm>>
    %dma_wait3A_204 = arith.constant 0 : i32
    %dma_wait3A_205 = arith.constant 0 : i32
    %dma_wait3A_206 = tpu.memref_slice %arg4[%arg1, %dma_wait3A_201, %dma_wait3A_204, %dma_wait3A_205] : memref<16x2x384x128xf32, #tpu.memory_space<vmem_shared>> -> memref<1x1x384x128xf32, #tpu.memory_space<vmem_shared>>
    %dma_wait3A_207 = tpu.memref_squeeze %dma_wait3A_206 : memref<1x1x384x128xf32, #tpu.memory_space<vmem_shared>> -> memref<384x128xf32, #tpu.memory_space<vmem_shared>>
    tpu.wait_dma2 semaphore(%arg7 : memref<!tpu.dma_semaphore, #tpu.memory_space<semaphore_mem>>) src(%dma_wait3A_207 : memref<384x128xf32, #tpu.memory_space<vmem_shared>>) dst(%dma_wait3A_203 : memref<384x128xf32, #tpu.memory_space<hbm>>)
    %add3A_208 = arith.constant 36864 : i32
    %add3A_209 = arith.addi %add3A, %add3A_208 : i32
    %dma_start3A_210 = arith.constant 0 : i32
    %dma_start3A_211 = arith.constant 0 : i32
    %dma_start3A_212 = arith.constant 0 : i32
    %dma_start3A_213 = tpu.memref_slice %arg4[%arg1, %dma_start3A_210, %dma_start3A_211, %dma_start3A_212] : memref<16x2x384x128xf32, #tpu.memory_space<vmem_shared>> -> memref<1x1x384x128xf32, #tpu.memory_space<vmem_shared>>
    %dma_start3A_214 = tpu.memref_squeeze %dma_start3A_213 : memref<1x1x384x128xf32, #tpu.memory_space<vmem_shared>> -> memref<384x128xf32, #tpu.memory_space<vmem_shared>>
    %dma_start3A_215 = arith.constant 0 : i32
    %dma_start3A_216 = tpu.memref_slice %arg2[%add3A_209, %dma_start3A_215] : memref<98304x128xf32, #tpu.memory_space<hbm>> -> memref<384x128xf32, #tpu.memory_space<hbm>>
    tpu.enqueue_dma source(%dma_start3A_216 : memref<384x128xf32, #tpu.memory_space<hbm>>) target(%dma_start3A_214 : memref<384x128xf32, #tpu.memory_space<vmem_shared>>) target_semaphore(%arg5 : memref<!tpu.dma_semaphore, #tpu.memory_space<semaphore_mem>>)
    %add3A_217 = arith.constant 36864 : i32
    %add3A_218 = arith.addi %add3A, %add3A_217 : i32
    %dma_wait3A_219 = arith.constant 0 : i32
    %dma_wait3A_220 = arith.constant 0 : i32
    %dma_wait3A_221 = arith.constant 0 : i32
    %dma_wait3A_222 = tpu.memref_slice %arg4[%arg1, %dma_wait3A_219, %dma_wait3A_220, %dma_wait3A_221] : memref<16x2x384x128xf32, #tpu.memory_space<vmem_shared>> -> memref<1x1x384x128xf32, #tpu.memory_space<vmem_shared>>
    %dma_wait3A_223 = tpu.memref_squeeze %dma_wait3A_222 : memref<1x1x384x128xf32, #tpu.memory_space<vmem_shared>> -> memref<384x128xf32, #tpu.memory_space<vmem_shared>>
    %dma_wait3A_224 = arith.constant 0 : i32
    %dma_wait3A_225 = tpu.memref_slice %arg2[%add3A_218, %dma_wait3A_224] : memref<98304x128xf32, #tpu.memory_space<hbm>> -> memref<384x128xf32, #tpu.memory_space<hbm>>
    tpu.wait_dma2 semaphore(%arg5 : memref<!tpu.dma_semaphore, #tpu.memory_space<semaphore_mem>>) src(%dma_wait3A_225 : memref<384x128xf32, #tpu.memory_space<hbm>>) dst(%dma_wait3A_223 : memref<384x128xf32, #tpu.memory_space<vmem_shared>>)
    %add3A_226 = arith.constant 36864 : i32
    %add3A_227 = arith.addi %add3A, %add3A_226 : i32
    %dma_start3A_228 = arith.constant 0 : i32
    %dma_start3A_229 = arith.constant 0 : i32
    %dma_start3A_230 = tpu.memref_slice %arg3[%add3A_227, %dma_start3A_229] : memref<98304x128xf32, #tpu.memory_space<hbm>> -> memref<384x128xf32, #tpu.memory_space<hbm>>
    %dma_start3A_231 = arith.constant 0 : i32
    %dma_start3A_232 = arith.constant 0 : i32
    %dma_start3A_233 = tpu.memref_slice %arg4[%arg1, %dma_start3A_228, %dma_start3A_231, %dma_start3A_232] : memref<16x2x384x128xf32, #tpu.memory_space<vmem_shared>> -> memref<1x1x384x128xf32, #tpu.memory_space<vmem_shared>>
    %dma_start3A_234 = tpu.memref_squeeze %dma_start3A_233 : memref<1x1x384x128xf32, #tpu.memory_space<vmem_shared>> -> memref<384x128xf32, #tpu.memory_space<vmem_shared>>
    tpu.enqueue_dma source(%dma_start3A_234 : memref<384x128xf32, #tpu.memory_space<vmem_shared>>) target(%dma_start3A_230 : memref<384x128xf32, #tpu.memory_space<hbm>>) target_semaphore(%arg7 : memref<!tpu.dma_semaphore, #tpu.memory_space<semaphore_mem>>)
    %add3A_235 = arith.constant 30720 : i32
    %add3A_236 = arith.addi %add3A, %add3A_235 : i32
    %dma_wait3A_237 = arith.constant 1 : i32
    %dma_wait3A_238 = arith.constant 0 : i32
    %dma_wait3A_239 = tpu.memref_slice %arg3[%add3A_236, %dma_wait3A_238] : memref<98304x128xf32, #tpu.memory_space<hbm>> -> memref<384x128xf32, #tpu.memory_space<hbm>>
    %dma_wait3A_240 = arith.constant 0 : i32
    %dma_wait3A_241 = arith.constant 0 : i32
    %dma_wait3A_242 = tpu.memref_slice %arg4[%arg1, %dma_wait3A_237, %dma_wait3A_240, %dma_wait3A_241] : memref<16x2x384x128xf32, #tpu.memory_space<vmem_shared>> -> memref<1x1x384x128xf32, #tpu.memory_space<vmem_shared>>
    %dma_wait3A_243 = tpu.memref_squeeze %dma_wait3A_242 : memref<1x1x384x128xf32, #tpu.memory_space<vmem_shared>> -> memref<384x128xf32, #tpu.memory_space<vmem_shared>>
    tpu.wait_dma2 semaphore(%arg8 : memref<!tpu.dma_semaphore, #tpu.memory_space<semaphore_mem>>) src(%dma_wait3A_243 : memref<384x128xf32, #tpu.memory_space<vmem_shared>>) dst(%dma_wait3A_239 : memref<384x128xf32, #tpu.memory_space<hbm>>)
    %add3A_244 = arith.constant 43008 : i32
    %add3A_245 = arith.addi %add3A, %add3A_244 : i32
    %dma_start3A_246 = arith.constant 1 : i32
    %dma_start3A_247 = arith.constant 0 : i32
    %dma_start3A_248 = arith.constant 0 : i32
    %dma_start3A_249 = tpu.memref_slice %arg4[%arg1, %dma_start3A_246, %dma_start3A_247, %dma_start3A_248] : memref<16x2x384x128xf32, #tpu.memory_space<vmem_shared>> -> memref<1x1x384x128xf32, #tpu.memory_space<vmem_shared>>
    %dma_start3A_250 = tpu.memref_squeeze %dma_start3A_249 : memref<1x1x384x128xf32, #tpu.memory_space<vmem_shared>> -> memref<384x128xf32, #tpu.memory_space<vmem_shared>>
    %dma_start3A_251 = arith.constant 0 : i32
    %dma_start3A_252 = tpu.memref_slice %arg2[%add3A_245, %dma_start3A_251] : memref<98304x128xf32, #tpu.memory_space<hbm>> -> memref<384x128xf32, #tpu.memory_space<hbm>>
    tpu.enqueue_dma source(%dma_start3A_252 : memref<384x128xf32, #tpu.memory_space<hbm>>) target(%dma_start3A_250 : memref<384x128xf32, #tpu.memory_space<vmem_shared>>) target_semaphore(%arg6 : memref<!tpu.dma_semaphore, #tpu.memory_space<semaphore_mem>>)
    %add3A_253 = arith.constant 43008 : i32
    %add3A_254 = arith.addi %add3A, %add3A_253 : i32
    %dma_wait3A_255 = arith.constant 1 : i32
    %dma_wait3A_256 = arith.constant 0 : i32
    %dma_wait3A_257 = arith.constant 0 : i32
    %dma_wait3A_258 = tpu.memref_slice %arg4[%arg1, %dma_wait3A_255, %dma_wait3A_256, %dma_wait3A_257] : memref<16x2x384x128xf32, #tpu.memory_space<vmem_shared>> -> memref<1x1x384x128xf32, #tpu.memory_space<vmem_shared>>
    %dma_wait3A_259 = tpu.memref_squeeze %dma_wait3A_258 : memref<1x1x384x128xf32, #tpu.memory_space<vmem_shared>> -> memref<384x128xf32, #tpu.memory_space<vmem_shared>>
    %dma_wait3A_260 = arith.constant 0 : i32
    %dma_wait3A_261 = tpu.memref_slice %arg2[%add3A_254, %dma_wait3A_260] : memref<98304x128xf32, #tpu.memory_space<hbm>> -> memref<384x128xf32, #tpu.memory_space<hbm>>
    tpu.wait_dma2 semaphore(%arg6 : memref<!tpu.dma_semaphore, #tpu.memory_space<semaphore_mem>>) src(%dma_wait3A_261 : memref<384x128xf32, #tpu.memory_space<hbm>>) dst(%dma_wait3A_259 : memref<384x128xf32, #tpu.memory_space<vmem_shared>>)
    %add3A_262 = arith.constant 43008 : i32
    %add3A_263 = arith.addi %add3A, %add3A_262 : i32
    %dma_start3A_264 = arith.constant 1 : i32
    %dma_start3A_265 = arith.constant 0 : i32
    %dma_start3A_266 = tpu.memref_slice %arg3[%add3A_263, %dma_start3A_265] : memref<98304x128xf32, #tpu.memory_space<hbm>> -> memref<384x128xf32, #tpu.memory_space<hbm>>
    %dma_start3A_267 = arith.constant 0 : i32
    %dma_start3A_268 = arith.constant 0 : i32
    %dma_start3A_269 = tpu.memref_slice %arg4[%arg1, %dma_start3A_264, %dma_start3A_267, %dma_start3A_268] : memref<16x2x384x128xf32, #tpu.memory_space<vmem_shared>> -> memref<1x1x384x128xf32, #tpu.memory_space<vmem_shared>>
    %dma_start3A_270 = tpu.memref_squeeze %dma_start3A_269 : memref<1x1x384x128xf32, #tpu.memory_space<vmem_shared>> -> memref<384x128xf32, #tpu.memory_space<vmem_shared>>
    tpu.enqueue_dma source(%dma_start3A_270 : memref<384x128xf32, #tpu.memory_space<vmem_shared>>) target(%dma_start3A_266 : memref<384x128xf32, #tpu.memory_space<hbm>>) target_semaphore(%arg8 : memref<!tpu.dma_semaphore, #tpu.memory_space<semaphore_mem>>)
    %add3A_271 = arith.constant 36864 : i32
    %add3A_272 = arith.addi %add3A, %add3A_271 : i32
    %dma_wait3A_273 = arith.constant 0 : i32
    %dma_wait3A_274 = arith.constant 0 : i32
    %dma_wait3A_275 = tpu.memref_slice %arg3[%add3A_272, %dma_wait3A_274] : memref<98304x128xf32, #tpu.memory_space<hbm>> -> memref<384x128xf32, #tpu.memory_space<hbm>>
    %dma_wait3A_276 = arith.constant 0 : i32
    %dma_wait3A_277 = arith.constant 0 : i32
    %dma_wait3A_278 = tpu.memref_slice %arg4[%arg1, %dma_wait3A_273, %dma_wait3A_276, %dma_wait3A_277] : memref<16x2x384x128xf32, #tpu.memory_space<vmem_shared>> -> memref<1x1x384x128xf32, #tpu.memory_space<vmem_shared>>
    %dma_wait3A_279 = tpu.memref_squeeze %dma_wait3A_278 : memref<1x1x384x128xf32, #tpu.memory_space<vmem_shared>> -> memref<384x128xf32, #tpu.memory_space<vmem_shared>>
    tpu.wait_dma2 semaphore(%arg7 : memref<!tpu.dma_semaphore, #tpu.memory_space<semaphore_mem>>) src(%dma_wait3A_279 : memref<384x128xf32, #tpu.memory_space<vmem_shared>>) dst(%dma_wait3A_275 : memref<384x128xf32, #tpu.memory_space<hbm>>)
    %add3A_280 = arith.constant 43008 : i32
    %add3A_281 = arith.addi %add3A, %add3A_280 : i32
    %dma_wait3A_282 = arith.constant 1 : i32
    %dma_wait3A_283 = arith.constant 0 : i32
    %dma_wait3A_284 = tpu.memref_slice %arg3[%add3A_281, %dma_wait3A_283] : memref<98304x128xf32, #tpu.memory_space<hbm>> -> memref<384x128xf32, #tpu.memory_space<hbm>>
    %dma_wait3A_285 = arith.constant 0 : i32
    %dma_wait3A_286 = arith.constant 0 : i32
    %dma_wait3A_287 = tpu.memref_slice %arg4[%arg1, %dma_wait3A_282, %dma_wait3A_285, %dma_wait3A_286] : memref<16x2x384x128xf32, #tpu.memory_space<vmem_shared>> -> memref<1x1x384x128xf32, #tpu.memory_space<vmem_shared>>
    %dma_wait3A_288 = tpu.memref_squeeze %dma_wait3A_287 : memref<1x1x384x128xf32, #tpu.memory_space<vmem_shared>> -> memref<384x128xf32, #tpu.memory_space<vmem_shared>>
    tpu.wait_dma2 semaphore(%arg8 : memref<!tpu.dma_semaphore, #tpu.memory_space<semaphore_mem>>) src(%dma_wait3A_288 : memref<384x128xf32, #tpu.memory_space<vmem_shared>>) dst(%dma_wait3A_284 : memref<384x128xf32, #tpu.memory_space<hbm>>)
    return
  }
}

</mosaic_0001>

<sc_bundles>
// kernel: kernel.3.cloned.1.call-start
scs
__scs_entry_jumppad:
0x0: {  	(pc) =	sbr.rel $0x88, $3  }
0x1: {  	(tag) =	ssettag $0x0;
	lr =	simm.s32 $0x1  }
0x2: {  	[smem:$0x3FA0] =	sst lr;
	_ =	strace $0xD0000000  }
0x3: {  	_ = 	snop  }
0x4: {  	_ = 	snop  }
0x5: {  	_ = 	snop  }
0x6: {  	_ = 	snop  }
0x7: {  	_ = 	snop  }
__scs_overlays_trampoline_lowered:
0x8: {  	[smem:$0x3FAF] =	sst s0  }
0x9: {  	[smem:$0x3FB0] =	sst s1  }
0xa: {  	[smem:$0x3FB1] =	sst s2  }
0xb: {  	[smem:$0x3FB2] =	sst s3  }
0xc: {  	[smem:$0x3FB3] =	sst s4  }
0xd: {  	[smem:$0x3FB4] =	sst s5  }
0xe: {  	[smem:$0x3FB5] =	sst s6  }
0xf: {  	[smem:$0x3FB6] =	sst s7  }
0x10: {  	[smem:$0x3FB7] =	sst s8  }
0x11: {  	[smem:$0x3FB8] =	sst s9;
	s0 =	simm.s32 @!p0 $0x0  }
0x12: {  	s1 =	sld [smem:$0x3F9E];
	s0 =	simm.s32 @p0 $0x1  }
0x13: {  	[smem:$0x3FB9] =	sst s0;
	s0 =	simm.s32 @!p1 $0x0  }
0x14: {  	s2 =	sld [smem:$0x3F9D];
	s0 =	simm.s32 @p1 $0x1  }
0x15: {  	[smem:$0x3FBA] =	sst s0;
	s0 =	simm.s32 @!p2 $0x0  }
0x16: {  	s3 =	sld [smem:$0x3FDB];
	s0 =	simm.s32 @p2 $0x1  }
0x17: {  	s4 =	simm.s32 $0x1BF5;
	[smem:$0x3FBC] =	sst s0  }
0x18: {  	s0 =	sld [smem:$0x3F9F];
	_ =	swait.ge [sflag:s4], $0x0  }
0x19: {  	s7 =	sld [smem:$0x3FA0]  }
0x1a: {  	s8 =	sadd.s32 $0xFFFFE003, lr  }
0x1b: {  	s9 =	sadd.s32 $0xFFFFFEF7, lr;
	s5 =	simm.s32 $0xFFFFFFFF;
	p2 =	slt.u32 s8, $0xFFFFF086  }
0x1c: {  	p1 =	slt.u32 s9, $0xF7A;
	s5 =	simm.s32 @!p2 $0x0  }
0x1d: {  	s5 =	simm.s32 @p1 $0x1;
	p0 =	seq.s32 s7, s2  }
0x1e: {  	s7 =	smul.u32 @!p0 $0xF7A, s2;
	p2 =	seq.s32 @!p0 s5, $0x0  }
0x1f: {  	s9 =	smul.u32 $0xF7A, s1;
	s8 =	simm.s32 @!p0 $0x1BF5;
	p2 =	por !p2, p0  }
0x20: {  	[sflag:s8] =	ssyncset.s32 @!p0 $0xFFFFF086;
	s6 =	sadd.s32 @!p0 s3, s7;
	s7 =	simm.s32 @!p0 $0x108  }
0x21: {  	s3 =	sadd.s32 s3, s9;
	s6 =	sadd.s32 @!p0 $0x88, s6;
	s7 =	simm.s32 @p2 $0x1082  }
0x22: {  	[simem:s7], [sflag:s8] =	dma.local @!p0 [hbm:s6], $0xF7A  }
0x23: {  	s9 =	sor.u32 $0xD0000000, s2;
	s6 =	simm.s32 $0x108;
	_ =	swait.ge @!p0 [sflag:s8], $0x0  }
0x24: {  	s3 =	sadd.s32 $0x88, s3;
	s6 =	simm.s32 @!p1 $0x1082;
	[sflag:s4] =	ssyncset.s32 $0xFFFFF086  }
0x25: {  	[simem:s6], [sflag:s4] =	dma.local [hbm:s3], $0xF7A  }
0x26: {  	[smem:$0x3FA0] =	sst s1;
	(tag) =	ssettag s2;
	_ =	strace s9  }
0x27: {  	s1 =	sld [smem:$0x3FB0]  }
0x28: {  	s2 =	sld [smem:$0x3FB1]  }
0x29: {  	s4 =	sld [smem:$0x3FB3]  }
0x2a: {  	p0 =	seq.s32 s5, $0x0;
	s5 =	sld [smem:$0x3FB4]  }
0x2b: {  	s6 =	sld [smem:$0x3FB5]  }
0x2c: {  	s7 =	sld [smem:$0x3FB6]  }
0x2d: {  	s3 =	simm.s32 $0x108;
	s8 =	sld [smem:$0x3FB7]  }
0x2e: {  	s3 =	simm.s32 @!p0 $0x1082;
	s9 =	sld [smem:$0x3FB8]  }
0x2f: {  	lr =	sadd.s32 s0, s3;
	s0 =	sld [smem:$0x3FAF]  }
0x30: {  	s3 =	sld [smem:$0x3FB2]  }
0x31: {  	[smem:$0x3FBB] =	sst s10  }
0x32: {  	s10 =	sld [smem:$0x3FB9];
	_ =	sdelay $0x3  }
0x33: {  	p0 =	seq.s32 s10, $0x1;
	s10 =	sld [smem:$0x3FBB];
	_ =	sdelay $0x3  }
0x34: {  	[smem:$0x3FBB] =	sst s10  }
0x35: {  	s10 =	sld [smem:$0x3FBA];
	_ =	sdelay $0x3  }
0x36: {  	p1 =	seq.s32 s10, $0x1;
	s10 =	sld [smem:$0x3FBB];
	_ =	sdelay $0x3  }
0x37: {  	[smem:$0x3FBB] =	sst s10  }
0x38: {  	s10 =	sld [smem:$0x3FBC]  }
0x39: {  	_ = 	snop;
	(pc) =	sbr.ind lr, $3  }
0x3a: {  	_ = 	snop  }
0x3b: {  	_ = 	snop  }
0x3c: {  	p2 =	seq.s32 s10, $0x1;
	s10 =	sld [smem:$0x3FBB]  }
0x3d: {  	_ =	shalt  }
0x3e: {  	_ =	shalt  }
0x3f: {  	_ =	shalt  }
0x40: {  	_ =	shalt  }
0x41: {  	_ =	shalt  }
0x42: {  	_ =	shalt  }
0x43: {  	_ =	shalt  }
0x44: {  	_ =	shalt  }
0x45: {  	_ =	shalt  }
0x46: {  	_ =	shalt  }
0x47: {  	_ =	shalt  }
0x48: {  	_ =	shalt  }
0x49: {  	_ =	shalt  }
0x4a: {  	_ =	shalt  }
0x4b: {  	_ =	shalt  }
0x4c: {  	_ =	shalt  }
0x4d: {  	_ =	shalt  }
0x4e: {  	_ =	shalt  }
0x4f: {  	_ =	shalt  }
0x50: {  	_ =	shalt  }
0x51: {  	_ =	shalt  }
0x52: {  	_ =	shalt  }
0x53: {  	_ =	shalt  }
0x54: {  	_ =	shalt  }
0x55: {  	_ =	shalt  }
0x56: {  	_ =	shalt  }
0x57: {  	_ =	shalt  }
0x58: {  	_ =	shalt  }
0x59: {  	_ =	shalt  }
0x5a: {  	_ =	shalt  }
0x5b: {  	_ =	shalt  }
0x5c: {  	_ =	shalt  }
0x5d: {  	_ =	shalt  }
0x5e: {  	_ =	shalt  }
0x5f: {  	_ =	shalt  }
0x60: {  	_ =	shalt  }
0x61: {  	_ =	shalt  }
0x62: {  	_ =	shalt  }
0x63: {  	_ =	shalt  }
0x64: {  	_ =	shalt  }
0x65: {  	_ =	shalt  }
0x66: {  	_ =	shalt  }
0x67: {  	_ =	shalt  }
0x68: {  	_ =	shalt  }
0x69: {  	_ =	shalt  }
0x6a: {  	_ =	shalt  }
0x6b: {  	_ =	shalt  }
0x6c: {  	_ =	shalt  }
0x6d: {  	_ =	shalt  }
0x6e: {  	_ =	shalt  }
0x6f: {  	_ =	shalt  }
0x70: {  	_ =	shalt  }
0x71: {  	_ =	shalt  }
0x72: {  	_ =	shalt  }
0x73: {  	_ =	shalt  }
0x74: {  	_ =	shalt  }
0x75: {  	_ =	shalt  }
0x76: {  	_ =	shalt  }
0x77: {  	_ =	shalt  }
0x78: {  	_ =	shalt  }
0x79: {  	_ =	shalt  }
0x7a: {  	_ =	shalt  }
0x7b: {  	_ =	shalt  }
0x7c: {  	_ =	shalt  }
0x7d: {  	_ =	shalt  }
0x7e: {  	_ =	shalt  }
0x7f: {  	_ =	shalt  }
0x80: {  	_ =	shalt  }
0x81: {  	_ =	shalt  }
0x82: {  	_ =	shalt  }
0x83: {  	_ =	shalt  }
0x84: {  	_ =	shalt  }
0x85: {  	_ =	shalt  }
0x86: {  	_ =	shalt  }
0x87: {  	_ =	shalt  }
.Lfunc_end0:
.L_simem_size_0:
called_computation_lowered:
.L_overlay_start_0:
0x88: {  	s2 =	sld [smem:$0x3FD9]  }
0x89: {  	s3 =	sld [smem:$0x3FFE];
	_ =	sdelay $0x1  }
0x8a: {  	s1 =	srdreg.scid  }
0x8b: {  	s0 =	sand.u32 $0x1, s1  }
0x8c: {  	s18 =	sshll.u32 s0, $0xA;
	s2 =	sadd.s32 s3, s2  }
0x8d: {  	s2 =	sadd.s32 s2, s18  }
0x8e: {  	[smem:$0x3FC7] =	sst s2  }
0x8f: {  	_ = 	snop  }
0x90: {  	s2 =	sld [smem:$0x3FC9]  }
0x91: {  	s19 =	sld [smem:$0x3FD0];
	(tm) =	ssettm $0x1  }
0x92: {  	s4 =	sld [smem:$0x3FFB];
	_ =	sdelay $0x3  }
0x93: {  	_ =	strace s4  }
0x94: {  	s4 =	sld [smem:$0x3FFC];
	_ =	sdelay $0x3  }
0x95: {  	_ =	strace s4  }
0x96: {  	s4 =	sld [smem:$0x3FFD];
	_ =	sdelay $0x3  }
0x97: {  	_ =	strace s4  }
0x98: {  	_ =	strace $0x8FFFFFFF  }
0x99: {  	s20 =	sld [smem:$0x3FDB];
	_ =	sdelay $0x1  }
0x9a: {  	s5 =	simm.s32 $_scs_section_size  }
0x9b: {  	s6 =	simm.s32 $_size__tile_overlayer_lowered;
	s7 =	simm.s32 $_tile_overlayer_lowered  }
0x9c: {  	s23 =	simm.s32 $0x1BFF;
	s22 =	sshll.u32 s7, $0x1;
	s4 =	sadd.s32 s5, s20  }
0x9d: {  	s8 =	simm.s32 $0x0;
	s21 =	sshll.u32 s6, $0x1;
	s6 =	sadd.s32 s22, s4  }
0x9e: {  	[timem:s8], [sflag:s23] =	dma.local [hbm:s6], s21  }
0x9f: {  	_ =	swait.ge [sflag:s23], s21  }
0xa0: {  	s5 =	ssub.s32 $0x0, s21;
	[sflag:s23] =	ssyncset.done $0x0  }
0xa1: {  	[sflag:s23] =	ssyncadd.s32 s5;
	_ =	sdelay $0x1  }
0xa2: {  	s24 =	simm.s32 $0x1B8B  }
0xa3: {  	_ =	swait.ge [sflag:s24], $0x1  }
0xa4: {  	[sflag:s24] =	ssyncset.done $0x0  }
0xa5: {  	s25 =	simm.s32 $0x1B8E;
	[sflag:s24] =	ssyncadd.s32 $0xFFFFFFFF  }
0xa6: {  	s26 =	simm.s32 $execute0_lowered;
	[smem:$0x3FD2] =	sst s25  }
0xa7: {  	s5 =	sshll.u32 s26, $0x1;
	_ =	strace $0x80000046;
	[dreg:$0x1] =	wrdreg $0xFFFFFFFF  }
0xa8: {  	s28 =	simm.s32 $_size_execute0_lowered;
	s4 =	sadd.s32 s4, s5;
	[dreg:$0x0] =	wrdreg $0x0  }
0xa9: {  	s5 =	sshll.u32 s28, $0x1;
	[dreg:$0x2] =	wrdreg s4  }
0xaa: {  	[dreg:$0x3] =	wrdreg s5  }
0xab: {  	[dreg:$0x4] =	wrdreg $0xC0  }
0xac: {  	_ =	task [dreg:s8], $0x5FFFF  }
0xad: {  	[dreg:$0x1] =	wrdreg $0xFFFFFFFF  }
0xae: {  	[dreg:$0x0] =	wrdreg $0x60  }
0xaf: {  	[dreg:$0x2] =	wrdreg s2  }
0xb0: {  	[dreg:$0x3] =	wrdreg s19  }
0xb1: {  	[dreg:$0x4] =	wrdreg $0x0  }
0xb2: {  	[dreg:$0x5] =	wrdreg $0x9  }
0xb3: {  	_ =	task.clear_ibuf [dreg:s8], $0x6FFFF;
	_ =	strace $0x90000046  }
0xb4: {  	s29 =	simm.s32 $0x9;
	_ =	strace $0x80000048  }
0xb5: {  	_ =	swait.ge [sflag:s29], $0x1  }
0xb6: {  	[sflag:s29] =	ssyncadd.s32 $0xFFFFFFFF  }
0xb7: {  	_ =	strace $0x90000048  }
0xb8: {  	_ =	sfence  }
0xb9: {  	s30 =	sld [smem:$0x0];
	_ =	sdelay $0x2  }
0xba: {  	s31 =	sshll.u32 s1, $0xD;
	s1 =	sshrl.u32 s1, $0x2  }
0xbb: {  	s3 =	sand.u32 $0x4000, s31;
	s1 =	sadd.s32 s1, s30  }
0xbc: {  	s0 =	sor.u32 s3, s0;
	s1 =	sshll.u32 s1, $0x11  }
0xbd: {  	s0 =	sor.u32 s1, s0  }
0xbe: {  	s0 =	sadd.s32 $0x8F2B, s0  }
0xbf: {  	[sflag:s0] =	ssyncadd.remote.s32 $0x1  }
0xc0: {  	_ =	sfence.sel $0xFFFF  }
0xc1: {  	[dreg:$0x0] =	wrdreg $0xFFFFFFFF;
	(pc) =	sbr.abs _section_cstart, $3  }
0xc2: {  	[dreg:$0x1] =	wrdreg $0xFFFFFFFF  }
0xc3: {  	_ =	task.clear_ibuf [dreg:s8], $0x2FFFF;
	_ =	strace $0x9FFFFFFF  }
0xc4: {  	(tm) =	ssettm $0x7FFFFFFF  }
0xc5: {  	_ =	shalt  }
tec
execute0_lowered:
.L_overlay_start_1:
0x0: {  	(tag) =	ssettag $0x1  }
0x1: {  	s3 =	rddreg [dreg:$0x0]  }
0x2: {  	s4 =	rddreg [dreg:$0x1]  }
0x3: {  	s2 =	rddreg [dreg:$0x2];
	s1 =	srdreg.scid  }
0x4: {  	s0 =	rddreg [dreg:$0x3];
	s5 =	sand.u32 $0x1, s1  }
0x5: {  	s7 =	simm.s32 $0x0;
	s1 =	stileid.u32;
	s6 =	smul.u32 $0xC000, s5  }
0x6: {  	p0 =	por $0x0, $0x0;
	s5 =	ssub.s32 $0x2, s5;
	s8 =	smul.u32 $0x180, s1  }
0x7: {  	[smem:$0x7FF] =	sst s7;
	s9 =	smul.u32 $0x60000, s1;
	s11 =	sshrl.u32 s5, $0x1  }
0x8: {  	_ =	strace $0x80000047;
	s19 =	sshll.u32 s1, $0x6;
	s7 =	ssub.s32 s5, s11  }
0x9: {  	s12 =	sor.u32 s8, s6;
	s13 =	sshrl.u32 s9, $0x2;
	s9 =	simm.s32 $0x2  }
0xa: {  	s5 =	sshll.u32 s12, $0x4;
	s15 =	sadd.s32 s13, s2;
	s2 =	sor.u32 $0x1C01, s19  }
0xb: {  	s7 =	smax.u32 s7, $0x1;
	s12 =	simm.s32 $0x1;
	s25 =	sadd.s32 s3, s5  }
0xc: {  	s23 =	sadd.s32 s4, s5;
	s6 =	sadd.s32 $0xC000, s15;
	s14 =	sadd.s32 $0x18000, s5  }
0xd: {  	s16 =	sadd.s32 $0x30000, s5;
	s17 =	sadd.s32 $0x48000, s5;
	s26 =	sadd.s32 $0x60000, s5  }
0xe: {  	s28 =	sadd.s32 $0x78000, s5;
	s29 =	sadd.s32 $0x90000, s5;
	s31 =	sadd.s32 $0xA8000, s5  }
0xf: {  	p1 =	sne.s32 s7, $0x1;
	s30 =	sadd.s32 $0xFFFFFFFF, s7;
	s15 =	sshrl.u32 s15, $0x3  }
0x10: {  	s7 =	simm.s32 $0x4;
	s24 =	sadd.s32 s3, s14;
	s22 =	sadd.s32 s4, s14  }
.Ltmp0:
0x11: {  	s21 =	sadd.s32 s3, s16;
	s20 =	sadd.s32 s4, s16;
	(pc) =	sbr.rel @!p1 .LBB2_3-.Ltmp0, $4  }
0x12: {  	s18 =	sadd.s32 s3, s17;
	s17 =	sadd.s32 s4, s17;
	s16 =	sadd.s32 s3, s26  }
0x13: {  	s14 =	sadd.s32 s4, s26;
	s13 =	sadd.s32 s3, s28;
	s11 =	sadd.s32 s4, s28  }
0x14: {  	s10 =	sadd.s32 s3, s29;
	s8 =	sadd.s32 s4, s29;
	s5 =	sadd.s32 s3, s31  }
0x15: {  	s3 =	sadd.s32 s4, s31;
	s6 =	sshrl.u32 s6, $0x3;
	s4 =	simm.s32 $0x3  }
0x16: {  	[spmem:s15], [sflag:s2] =	dma.local [hbm:s25], $0x1800  }
0x17: {  	_ =	swait.ge [sflag:s12], $0x1800  }
0x18: {  	[sflag:s12] =	ssyncset.done $0x0  }
0x19: {  	s26 =	sor.u32 $0x1C03, s19;
	s28 =	sor.u32 $0x1C02, s19;
	[sflag:s12] =	ssyncadd.s32 $0xFFFFE800  }
0x1a: {  	[hbm:s23], [sflag:s26] =	dma.local [spmem:s15], $0x1800  }
0x1b: {  	[spmem:s6], [sflag:s28] =	dma.local [hbm:s24], $0x1800  }
0x1c: {  	_ =	swait.ge [sflag:s9], $0x1800  }
0x1d: {  	[sflag:s9] =	ssyncset.done $0x0  }
0x1e: {  	s29 =	sor.u32 $0x1C04, s19;
	[sflag:s9] =	ssyncadd.s32 $0xFFFFE800  }
0x1f: {  	[hbm:s22], [sflag:s29] =	dma.local [spmem:s6], $0x1800  }
0x20: {  	_ =	swait.ge [sflag:s4], $0x1800  }
0x21: {  	[sflag:s4] =	ssyncset.done $0x0  }
0x22: {  	[sflag:s4] =	ssyncadd.s32 $0xFFFFE800  }
0x23: {  	[spmem:s15], [sflag:s2] =	dma.local [hbm:s21], $0x1800  }
0x24: {  	_ =	swait.ge [sflag:s12], $0x1800  }
0x25: {  	[sflag:s12] =	ssyncset.done $0x0  }
0x26: {  	[sflag:s12] =	ssyncadd.s32 $0xFFFFE800  }
0x27: {  	[hbm:s20], [sflag:s26] =	dma.local [spmem:s15], $0x1800  }
0x28: {  	_ =	swait.ge [sflag:s7], $0x1800  }
0x29: {  	[sflag:s7] =	ssyncset.done $0x0  }
0x2a: {  	[sflag:s7] =	ssyncadd.s32 $0xFFFFE800  }
0x2b: {  	[spmem:s6], [sflag:s28] =	dma.local [hbm:s18], $0x1800  }
0x2c: {  	_ =	swait.ge [sflag:s9], $0x1800  }
0x2d: {  	[sflag:s9] =	ssyncset.done $0x0  }
0x2e: {  	[sflag:s9] =	ssyncadd.s32 $0xFFFFE800  }
0x2f: {  	[hbm:s17], [sflag:s29] =	dma.local [spmem:s6], $0x1800  }
0x30: {  	_ =	swait.ge [sflag:s4], $0x1800  }
0x31: {  	[sflag:s4] =	ssyncset.done $0x0  }
0x32: {  	[sflag:s4] =	ssyncadd.s32 $0xFFFFE800  }
0x33: {  	[spmem:s15], [sflag:s2] =	dma.local [hbm:s16], $0x1800  }
0x34: {  	_ =	swait.ge [sflag:s12], $0x1800  }
0x35: {  	[sflag:s12] =	ssyncset.done $0x0  }
0x36: {  	[sflag:s12] =	ssyncadd.s32 $0xFFFFE800  }
0x37: {  	[hbm:s14], [sflag:s26] =	dma.local [spmem:s15], $0x1800  }
0x38: {  	_ =	swait.ge [sflag:s7], $0x1800  }
0x39: {  	[sflag:s7] =	ssyncset.done $0x0  }
0x3a: {  	[sflag:s7] =	ssyncadd.s32 $0xFFFFE800  }
0x3b: {  	[spmem:s6], [sflag:s28] =	dma.local [hbm:s13], $0x1800  }
0x3c: {  	_ =	swait.ge [sflag:s9], $0x1800  }
0x3d: {  	[sflag:s9] =	ssyncset.done $0x0  }
0x3e: {  	[sflag:s9] =	ssyncadd.s32 $0xFFFFE800  }
0x3f: {  	[hbm:s11], [sflag:s29] =	dma.local [spmem:s6], $0x1800  }
0x40: {  	_ =	swait.ge [sflag:s4], $0x1800  }
0x41: {  	[sflag:s4] =	ssyncset.done $0x0  }
0x42: {  	[sflag:s4] =	ssyncadd.s32 $0xFFFFE800  }
0x43: {  	[spmem:s15], [sflag:s2] =	dma.local [hbm:s10], $0x1800  }
0x44: {  	_ =	swait.ge [sflag:s12], $0x1800  }
0x45: {  	[sflag:s12] =	ssyncset.done $0x0  }
0x46: {  	[sflag:s12] =	ssyncadd.s32 $0xFFFFE800  }
0x47: {  	[hbm:s8], [sflag:s26] =	dma.local [spmem:s15], $0x1800  }
0x48: {  	_ =	swait.ge [sflag:s7], $0x1800  }
0x49: {  	[sflag:s7] =	ssyncset.done $0x0  }
0x4a: {  	[sflag:s7] =	ssyncadd.s32 $0xFFFFE800  }
0x4b: {  	[spmem:s6], [sflag:s28] =	dma.local [hbm:s5], $0x1800  }
0x4c: {  	_ =	swait.ge [sflag:s9], $0x1800  }
0x4d: {  	[sflag:s9] =	ssyncset.done $0x0  }
0x4e: {  	p1 =	sne.s32 s30, $0x1;
	[sflag:s9] =	ssyncadd.s32 $0xFFFFE800  }
0x4f: {  	[hbm:s3], [sflag:s29] =	dma.local [spmem:s6], $0x1800  }
.Ltmp1:
0x50: {  	_ =	swait.ge [sflag:s4], $0x1800;
	(pc) =	sbr.rel @!p1 .LBB2_3-.Ltmp1, $4  }
0x51: {  	[sflag:s4] =	ssyncset.done $0x0  }
0x52: {  	[sflag:s4] =	ssyncadd.s32 $0xFFFFE800  }
0x53: {  	_ =	swait.ge [sflag:s7], $0x1800  }
0x54: {  	s30 =	sadd.s32 $0xFFFFFFFF, s30;
	p0 =	por $0x1, $0x1;
	[sflag:s7] =	ssyncset.done $0x0  }
.LBB2_2:
0x55: {  	p1 =	sne.s32 s30, $0x1;
	[sflag:s7] =	ssyncadd.s32 $0xFFFFE800  }
0x56: {  	[spmem:s15], [sflag:s2] =	dma.local [hbm:s25], $0x1800  }
0x57: {  	s30 =	sadd.s32 $0xFFFFFFFF, s30;
	_ =	swait.ge [sflag:s12], $0x1800  }
0x58: {  	[sflag:s12] =	ssyncset.done $0x0  }
0x59: {  	[sflag:s12] =	ssyncadd.s32 $0xFFFFE800  }
0x5a: {  	[hbm:s23], [sflag:s26] =	dma.local [spmem:s15], $0x1800  }
0x5b: {  	[spmem:s6], [sflag:s28] =	dma.local [hbm:s24], $0x1800  }
0x5c: {  	_ =	swait.ge [sflag:s9], $0x1800  }
0x5d: {  	[sflag:s9] =	ssyncset.done $0x0  }
0x5e: {  	[sflag:s9] =	ssyncadd.s32 $0xFFFFE800  }
0x5f: {  	[hbm:s22], [sflag:s29] =	dma.local [spmem:s6], $0x1800  }
0x60: {  	_ =	swait.ge [sflag:s4], $0x1800  }
0x61: {  	[sflag:s4] =	ssyncset.done $0x0  }
0x62: {  	[sflag:s4] =	ssyncadd.s32 $0xFFFFE800  }
0x63: {  	[spmem:s15], [sflag:s2] =	dma.local [hbm:s21], $0x1800  }
0x64: {  	_ =	swait.ge [sflag:s12], $0x1800  }
0x65: {  	[sflag:s12] =	ssyncset.done $0x0  }
0x66: {  	[sflag:s12] =	ssyncadd.s32 $0xFFFFE800  }
0x67: {  	[hbm:s20], [sflag:s26] =	dma.local [spmem:s15], $0x1800  }
0x68: {  	_ =	swait.ge [sflag:s7], $0x1800  }
0x69: {  	[sflag:s7] =	ssyncset.done $0x0  }
0x6a: {  	[sflag:s7] =	ssyncadd.s32 $0xFFFFE800  }
0x6b: {  	[spmem:s6], [sflag:s28] =	dma.local [hbm:s18], $0x1800  }
0x6c: {  	_ =	swait.ge [sflag:s9], $0x1800  }
0x6d: {  	[sflag:s9] =	ssyncset.done $0x0  }
0x6e: {  	[sflag:s9] =	ssyncadd.s32 $0xFFFFE800  }
0x6f: {  	[hbm:s17], [sflag:s29] =	dma.local [spmem:s6], $0x1800  }
0x70: {  	_ =	swait.ge [sflag:s4], $0x1800  }
0x71: {  	[sflag:s4] =	ssyncset.done $0x0  }
0x72: {  	[sflag:s4] =	ssyncadd.s32 $0xFFFFE800  }
0x73: {  	[spmem:s15], [sflag:s2] =	dma.local [hbm:s16], $0x1800  }
0x74: {  	_ =	swait.ge [sflag:s12], $0x1800  }
0x75: {  	[sflag:s12] =	ssyncset.done $0x0  }
0x76: {  	[sflag:s12] =	ssyncadd.s32 $0xFFFFE800  }
0x77: {  	[hbm:s14], [sflag:s26] =	dma.local [spmem:s15], $0x1800  }
0x78: {  	_ =	swait.ge [sflag:s7], $0x1800  }
0x79: {  	[sflag:s7] =	ssyncset.done $0x0  }
0x7a: {  	[sflag:s7] =	ssyncadd.s32 $0xFFFFE800  }
0x7b: {  	[spmem:s6], [sflag:s28] =	dma.local [hbm:s13], $0x1800  }
0x7c: {  	_ =	swait.ge [sflag:s9], $0x1800  }
0x7d: {  	[sflag:s9] =	ssyncset.done $0x0  }
0x7e: {  	[sflag:s9] =	ssyncadd.s32 $0xFFFFE800  }
0x7f: {  	[hbm:s11], [sflag:s29] =	dma.local [spmem:s6], $0x1800  }
0x80: {  	_ =	swait.ge [sflag:s4], $0x1800  }
0x81: {  	[sflag:s4] =	ssyncset.done $0x0  }
0x82: {  	[sflag:s4] =	ssyncadd.s32 $0xFFFFE800  }
0x83: {  	[spmem:s15], [sflag:s2] =	dma.local [hbm:s10], $0x1800  }
0x84: {  	_ =	swait.ge [sflag:s12], $0x1800  }
0x85: {  	[sflag:s12] =	ssyncset.done $0x0  }
0x86: {  	[sflag:s12] =	ssyncadd.s32 $0xFFFFE800  }
0x87: {  	[hbm:s8], [sflag:s26] =	dma.local [spmem:s15], $0x1800  }
0x88: {  	_ =	swait.ge [sflag:s7], $0x1800  }
0x89: {  	[sflag:s7] =	ssyncset.done $0x0  }
0x8a: {  	[sflag:s7] =	ssyncadd.s32 $0xFFFFE800  }
0x8b: {  	[spmem:s6], [sflag:s28] =	dma.local [hbm:s5], $0x1800  }
0x8c: {  	_ =	swait.ge [sflag:s9], $0x1800  }
0x8d: {  	[sflag:s9] =	ssyncset.done $0x0  }
0x8e: {  	[sflag:s9] =	ssyncadd.s32 $0xFFFFE800  }
0x8f: {  	[hbm:s3], [sflag:s29] =	dma.local [spmem:s6], $0x1800  }
.Ltmp2:
0x90: {  	_ =	swait.ge [sflag:s4], $0x1800;
	(pc) =	sbr.rel @p1 .LBB2_2-.Ltmp2, $4  }
0x91: {  	[sflag:s4] =	ssyncset.done $0x0  }
0x92: {  	[sflag:s4] =	ssyncadd.s32 $0xFFFFE800  }
0x93: {  	_ =	swait.ge [sflag:s7], $0x1800  }
0x94: {  	[sflag:s7] =	ssyncset.done $0x0  }
.LBB2_3:
0x95: {  	[sflag:s7] =	ssyncadd.s32 @p0 $0xFFFFE800  }
0x96: {  	[spmem:s15], [sflag:s2] =	dma.local [hbm:s25], $0x1800  }
0x97: {  	_ =	swait.ge [sflag:s12], $0x1800  }
0x98: {  	[sflag:s12] =	ssyncset.done $0x0  }
0x99: {  	s29 =	sor.u32 $0x1C03, s19;
	s30 =	sor.u32 $0x1C02, s19;
	[sflag:s12] =	ssyncadd.s32 $0xFFFFE800  }
0x9a: {  	[hbm:s23], [sflag:s29] =	dma.local [spmem:s15], $0x1800  }
0x9b: {  	[spmem:s6], [sflag:s30] =	dma.local [hbm:s24], $0x1800  }
0x9c: {  	_ =	swait.ge [sflag:s9], $0x1800  }
0x9d: {  	[sflag:s9] =	ssyncset.done $0x0  }
0x9e: {  	s31 =	sor.u32 $0x1C04, s19;
	[sflag:s9] =	ssyncadd.s32 $0xFFFFE800  }
0x9f: {  	[hbm:s22], [sflag:s31] =	dma.local [spmem:s6], $0x1800  }
0xa0: {  	_ =	swait.ge [sflag:s4], $0x1800  }
0xa1: {  	[sflag:s4] =	ssyncset.done $0x0  }
0xa2: {  	[sflag:s4] =	ssyncadd.s32 $0xFFFFE800  }
0xa3: {  	[spmem:s15], [sflag:s2] =	dma.local [hbm:s21], $0x1800  }
0xa4: {  	_ =	swait.ge [sflag:s12], $0x1800  }
0xa5: {  	[sflag:s12] =	ssyncset.done $0x0  }
0xa6: {  	[sflag:s12] =	ssyncadd.s32 $0xFFFFE800  }
0xa7: {  	[hbm:s20], [sflag:s29] =	dma.local [spmem:s15], $0x1800  }
0xa8: {  	_ =	swait.ge [sflag:s7], $0x1800  }
0xa9: {  	[sflag:s7] =	ssyncset.done $0x0  }
0xaa: {  	[sflag:s7] =	ssyncadd.s32 $0xFFFFE800  }
0xab: {  	[spmem:s6], [sflag:s30] =	dma.local [hbm:s18], $0x1800  }
0xac: {  	_ =	swait.ge [sflag:s9], $0x1800  }
0xad: {  	[sflag:s9] =	ssyncset.done $0x0  }
0xae: {  	[sflag:s9] =	ssyncadd.s32 $0xFFFFE800  }
0xaf: {  	[hbm:s17], [sflag:s31] =	dma.local [spmem:s6], $0x1800  }
0xb0: {  	_ =	swait.ge [sflag:s4], $0x1800  }
0xb1: {  	[sflag:s4] =	ssyncset.done $0x0  }
0xb2: {  	[sflag:s4] =	ssyncadd.s32 $0xFFFFE800  }
0xb3: {  	[spmem:s15], [sflag:s2] =	dma.local [hbm:s16], $0x1800  }
0xb4: {  	_ =	swait.ge [sflag:s12], $0x1800  }
0xb5: {  	[sflag:s12] =	ssyncset.done $0x0  }
0xb6: {  	[sflag:s12] =	ssyncadd.s32 $0xFFFFE800  }
0xb7: {  	[hbm:s14], [sflag:s29] =	dma.local [spmem:s15], $0x1800  }
0xb8: {  	_ =	swait.ge [sflag:s7], $0x1800  }
0xb9: {  	[sflag:s7] =	ssyncset.done $0x0  }
0xba: {  	[sflag:s7] =	ssyncadd.s32 $0xFFFFE800  }
0xbb: {  	[spmem:s6], [sflag:s30] =	dma.local [hbm:s13], $0x1800  }
0xbc: {  	_ =	swait.ge [sflag:s9], $0x1800  }
0xbd: {  	[sflag:s9] =	ssyncset.done $0x0  }
0xbe: {  	[sflag:s9] =	ssyncadd.s32 $0xFFFFE800  }
0xbf: {  	[hbm:s11], [sflag:s31] =	dma.local [spmem:s6], $0x1800  }
0xc0: {  	_ =	swait.ge [sflag:s4], $0x1800  }
0xc1: {  	[sflag:s4] =	ssyncset.done $0x0  }
0xc2: {  	[sflag:s4] =	ssyncadd.s32 $0xFFFFE800  }
0xc3: {  	[spmem:s15], [sflag:s2] =	dma.local [hbm:s10], $0x1800  }
0xc4: {  	_ =	swait.ge [sflag:s12], $0x1800  }
0xc5: {  	[sflag:s12] =	ssyncset.done $0x0  }
0xc6: {  	[sflag:s12] =	ssyncadd.s32 $0xFFFFE800  }
0xc7: {  	[hbm:s8], [sflag:s29] =	dma.local [spmem:s15], $0x1800  }
0xc8: {  	_ =	swait.ge [sflag:s7], $0x1800  }
0xc9: {  	[sflag:s7] =	ssyncset.done $0x0  }
0xca: {  	[sflag:s7] =	ssyncadd.s32 $0xFFFFE800  }
0xcb: {  	[spmem:s6], [sflag:s30] =	dma.local [hbm:s5], $0x1800  }
0xcc: {  	_ =	swait.ge [sflag:s9], $0x1800  }
0xcd: {  	[sflag:s9] =	ssyncset.done $0x0  }
0xce: {  	[sflag:s9] =	ssyncadd.s32 $0xFFFFE800  }
0xcf: {  	[hbm:s3], [sflag:s31] =	dma.local [spmem:s6], $0x1800  }
0xd0: {  	_ =	swait.ge [sflag:s4], $0x1800  }
0xd1: {  	[sflag:s4] =	ssyncset.done $0x0  }
0xd2: {  	[sflag:s4] =	ssyncadd.s32 $0xFFFFE800  }
0xd3: {  	_ =	swait.ge [sflag:s7], $0x1800  }
0xd4: {  	[sflag:s7] =	ssyncset.done $0x0  }
0xd5: {  	[sflag:s7] =	ssyncadd.s32 $0xFFFFE800  }
0xd6: {  	_ =	sfence.sel $0x180000  }
0xd7: {  	[bflag:$0x0] =	sbarrier.arrive $0xFFFF  }
0xd8: {  	p0 =	sne.s32 s1, $0x0;
	_ =	strace $0x90000047  }
0xd9: {  	s0 =	sadd.s32 @!p0 $0x100000, s0;
	[bflag:$0x2] =	sbarrier.arrive $0xFFFF  }
0xda: {  	[sflag:s0] =	ssyncadd.tile.s32 @!p0 $0x1;
	_ =	shalt  }
.Lfunc_end2:
_tile_overlayer_lowered:
.L_overlay_start_2:
0xdb: {  	(tag) =	ssettag $0x2  }
0xdc: {  	s0 =	rddreg [dreg:$0x0];
	s2 =	stileid.u32  }
0xdd: {  	s1 =	rddreg [dreg:$0x1];
	p0 =	sne.s32 s2, $0x0  }
0xde: {  	s3 =	rddreg [dreg:$0x2];
	[bflag:$0x3] =	sbarrier.arrive $0xFFFF;
	s2 =	simm.s32 @!p0 $0x1C05  }
0xdf: {  	[timem:s3], [sflag:s2] =	dma.local @!p0 [hbm:s0], s1  }
0xe0: {  	s0 =	simm.s32 @!p0 $0x5  }
0xe1: {  	_ =	swait.ge @!p0 [sflag:s0], s1  }
0xe2: {  	s1 =	ssub.s32 @!p0 $0x0, s1;
	[sflag:s0] =	ssyncset.done @!p0 $0x0  }
0xe3: {  	[sflag:s0] =	ssyncadd.s32 @!p0 s1  }
0xe4: {  	[bflag:$0x3] =	sbarrier.arrive $0xFFFF  }
0xe5: {  	_ =	shalt  }

</sc_bundles>
